<compile_context>
chip_gen: v7x
topology: tpu7x:2x2x1
jax: 0.10.2.dev20260603
libtpu: 0.0.44.dev20260713+nightly
codegen_flags: <defaults>
</compile_context>

<pallas_src>
import jax
import jax.numpy as jnp
from jax import lax
from jax.experimental import pallas as pl
from jax.experimental.pallas import tpu as pltpu
from jax.experimental.pallas import tpu_sc as plsc

B, H, L, D = 4, 16, 2048, 128
_ROW = L * D

_NROWS = B * H
_RTC = 40

_RB = 8
_GK = _NROWS // _RB


def _tc_k_kernel(k_in_ref, k_out_ref, mask_ref, semk):
    i = pl.program_id(0)
    mask_ref[...] = jnp.ones_like(mask_ref)
    ck = pltpu.make_async_copy(k_in_ref, k_out_ref.at[pl.ds(i * _RB, _RB)], semk)
    ck.start()
    ck.wait()


_GV = _RTC // _RB


def _tc_v_kernel(v_buf_ref, v_in_ref, v_out_ref, semv):
    del v_buf_ref
    i = pl.program_id(0)
    cv = pltpu.make_async_copy(v_in_ref, v_out_ref.at[pl.ds(i * _RB, _RB)], semv)
    cv.start()
    cv.wait()


_NC, _NS = 2, 16
_NW = _NC * _NS
_SC_BASE = _RTC * _ROW
_SC_FL = (_NROWS - _RTC) * _ROW
_PW = _SC_FL // _NW
_CH = 32768
_NCH = _PW // _CH


def _sc_v_kernel(v_hbm, v_out_hbm, buf0, buf1, si0, si1, so0, so1):
    wid = lax.axis_index("s") * _NC + lax.axis_index("c")
    base = _SC_BASE + wid * _PW
    bufs = (buf0, buf1)
    sin = (si0, si1)
    sout = (so0, so1)
    outs = {}
    for ci in range(_NCH):
        b = ci % 2
        if ci >= 2:
            outs[ci - 2].wait()
        sl = pl.ds(base + ci * _CH, _CH)
        pltpu.async_copy(v_hbm.at[sl], bufs[b], sin[b]).wait()
        outs[ci] = pltpu.async_copy(bufs[b], v_out_hbm.at[sl], sout[b])
    outs[_NCH - 2].wait()
    outs[_NCH - 1].wait()


def kernel(k_val, v_val, input_pos, is_prefill, k_cache, v_cache, pos, mask):
    del input_pos, is_prefill, k_cache, v_cache, pos
    kv3 = (_NROWS, L, D)
    k3 = k_val.reshape(kv3)
    v3 = v_val.reshape(kv3)
    v_flat = v_val.reshape(_NROWS * _ROW)
    mask3 = (_NROWS, 1, L)

    v_buf = pl.kernel(
        _sc_v_kernel,
        out_type=jax.ShapeDtypeStruct((_NROWS * _ROW,), jnp.float32),
        mesh=plsc.VectorSubcoreMesh(core_axis_name="c", subcore_axis_name="s"),
        scratch_types=[
            pltpu.VMEM((_CH,), jnp.float32),
            pltpu.VMEM((_CH,), jnp.float32),
            pltpu.SemaphoreType.DMA,
            pltpu.SemaphoreType.DMA,
            pltpu.SemaphoreType.DMA,
            pltpu.SemaphoreType.DMA,
        ],
    )(v_flat)
    v_buf3 = v_buf.reshape(kv3)

    k_out, mask_out = pl.pallas_call(
        _tc_k_kernel,
        grid=(_GK,),
        in_specs=[pl.BlockSpec((_RB, L, D), lambda i: (i, 0, 0))],
        out_specs=[
            pl.BlockSpec(memory_space=pl.ANY),
            pl.BlockSpec((_RB, 1, L), lambda i: (i, 0, 0)),
        ],
        out_shape=[
            jax.ShapeDtypeStruct(kv3, k_val.dtype),
            jax.ShapeDtypeStruct(mask3, jnp.bool_),
        ],
        scratch_shapes=[pltpu.SemaphoreType.DMA],
    )(k3)

    v_out = pl.pallas_call(
        _tc_v_kernel,
        grid=(_GV,),
        in_specs=[
            pl.BlockSpec(memory_space=pl.ANY),
            pl.BlockSpec((_RB, L, D), lambda i: (i, 0, 0)),
        ],
        out_specs=[pl.BlockSpec(memory_space=pl.ANY)],
        out_shape=[jax.ShapeDtypeStruct(kv3, v_val.dtype)],
        scratch_shapes=[pltpu.SemaphoreType.DMA],
        input_output_aliases={0: 0},
    )(v_buf3, v3)[0]

    return (
        k_out.reshape(B, H, L, D),
        v_out.reshape(B, H, L, D),
        mask_out.reshape(B, H, 1, L),
    )

# --- scband reference (transcript-rebuilt; emitter-appended) ---
"""Pipeline reference for scband-kvcache-lightweight-87101936763221 (READ-ONLY COPY).

The authoritative reference and input builder live on the scoring server;
editing this copy changes nothing except your own understanding.
"""

import jax, jax.numpy as jnp
import numpy as np

B, H, L, D = 4, 16, 2048, 128


def setup_inputs(seed: int = 0) -> dict:
    key = jax.random.key(seed)
    k1, k2 = jax.random.split(key)
    k_val = jax.random.normal(k1, (B, H, L, D), dtype=jnp.float32)
    v_val = jax.random.normal(k2, (B, H, L, D), dtype=jnp.float32)
    input_pos = jnp.arange(L, dtype=jnp.int32)
    # KV cache buffers sized per init_kwargs (max_batch_size=4, n_heads=16, max_cache_length=2048, head_dim=128)
    k_cache = jnp.zeros((B, H, L, D), dtype=jnp.float32)
    v_cache = jnp.zeros((B, H, L, D), dtype=jnp.float32)
    pos = jnp.full((B, 1, L), -1, dtype=jnp.int32)  # head_specific=False -> 1 head dim
    mask = jnp.zeros((B, H, 1, L), dtype=bool)
    return {
        "k_val": k_val,
        "v_val": v_val,
        "input_pos": input_pos,
        "is_prefill": 1,
        "k_cache": k_cache,
        "v_cache": v_cache,
        "pos": pos,
        "mask": mask,
    }


def reference(k_val, v_val, input_pos, is_prefill, k_cache, v_cache, pos, mask):
    # KVCache.update_kv with is_prefill=True -> _prefill_update -> _fill_contiguous.
    # cache_bits is None so quantize/dequantize are no-ops.
    S = input_pos.shape[0]
    fill_idxs = jnp.arange(S)
    # self.pos[:, :, fill_idxs] = input_pos
    pos_new = pos.at[:, :, fill_idxs].set(input_pos.astype(jnp.int32)[None, None, :])
    # self.k_cache[:, :, fill_idxs, :] = k_val  (scatter-overwrite)
    k_new = k_cache.at[:, :, fill_idxs, :].set(k_val)
    # self.v_cache[:, :, fill_idxs, :] = v_val
    v_new = v_cache.at[:, :, fill_idxs, :].set(v_val)
    # self.mask[:, :, :, fill_idxs] = True
    mask_new = mask.at[:, :, :, fill_idxs].set(True)
    # cache_cts += num_insertions (scalar bookkeeping)
    cache_cts = jnp.zeros((1,), dtype=jnp.int32) + jnp.int32(S)
    del pos_new, cache_cts
    # return_kv_cache() -> (k_cache, v_cache, mask)
    return (k_new, v_new, mask_new)

if __name__ == "__main__":
    import jax
    _d = setup_inputs()
    print(jax.jit(kernel)(*tuple(_d.values())))

</pallas_src>

<mosaic_0001>
#map = affine_map<(d0, d1) -> (0)>
module attributes {stable_mosaic.version = 14 : i64} {
  func.func @_sc_v_kernel(%arg0: i32, %arg1: i32, %arg2: memref<16777216xf32, #tpu.memory_space<hbm>>, %arg3: memref<16777216xf32, #tpu.memory_space<hbm>>, %arg4: memref<32768xf32, #tpu.memory_space<vmem>>, %arg5: memref<32768xf32, #tpu.memory_space<vmem>>, %arg6: memref<!tpu.dma_semaphore, #tpu.memory_space<semaphore_mem>>, %arg7: memref<!tpu.dma_semaphore, #tpu.memory_space<semaphore_mem>>, %arg8: memref<!tpu.dma_semaphore, #tpu.memory_space<semaphore_mem>>, %arg9: memref<!tpu.dma_semaphore, #tpu.memory_space<semaphore_mem>>) attributes {dimension_semantics = [#tpu.dimension_semantics<core_parallel>, #tpu.dimension_semantics<subcore_parallel>], iteration_bounds = array<i64: 2, 16>, scalar_prefetch = 0 : i64, scratch_operands = 6 : i64, tpu.core_type = #tpu.core_type<sc_vector_subcore>, window_params = [{transform_indices = #map}, {transform_indices = #map}]} {
    %mul3A = arith.constant 2 : i32
    %mul3A_0 = arith.muli %arg1, %mul3A : i32
    %add3A = arith.addi %mul3A_0, %arg0 : i32
    %mul3A_1 = arith.constant 196608 : i32
    %mul3A_2 = arith.muli %add3A, %mul3A_1 : i32
    %add3A_3 = arith.constant 10485760 : i32
    %add3A_4 = arith.addi %add3A_3, %mul3A_2 : i32
    %add3A_5 = arith.constant 0 : i32
    %add3A_6 = arith.addi %add3A_4, %add3A_5 : i32
    %dma_start3A = tpu.memref_slice %arg2[%add3A_6] : memref<16777216xf32, #tpu.memory_space<hbm>> -> memref<32768xf32, #tpu.memory_space<hbm>>
    %dma_start3A_7 = tpu.memref_slice %arg2[%add3A_6] : memref<16777216xf32, #tpu.memory_space<hbm>> -> memref<32768xf32, #tpu.memory_space<hbm>>
    tpu.enqueue_dma source(%dma_start3A_7 : memref<32768xf32, #tpu.memory_space<hbm>>) target(%arg4 : memref<32768xf32, #tpu.memory_space<vmem>>) target_semaphore(%arg6 : memref<!tpu.dma_semaphore, #tpu.memory_space<semaphore_mem>>)
    %dma_wait3A = tpu.memref_slice %arg2[%add3A_6] : memref<16777216xf32, #tpu.memory_space<hbm>> -> memref<32768xf32, #tpu.memory_space<hbm>>
    %dma_wait3A_8 = tpu.memref_slice %arg2[%add3A_6] : memref<16777216xf32, #tpu.memory_space<hbm>> -> memref<32768xf32, #tpu.memory_space<hbm>>
    tpu.wait_dma2 semaphore(%arg6 : memref<!tpu.dma_semaphore, #tpu.memory_space<semaphore_mem>>) src(%dma_wait3A_8 : memref<32768xf32, #tpu.memory_space<hbm>>) dst(%arg4 : memref<32768xf32, #tpu.memory_space<vmem>>)
    %dma_start3A_9 = tpu.memref_slice %arg3[%add3A_6] : memref<16777216xf32, #tpu.memory_space<hbm>> -> memref<32768xf32, #tpu.memory_space<hbm>>
    %dma_start3A_10 = tpu.memref_slice %arg3[%add3A_6] : memref<16777216xf32, #tpu.memory_space<hbm>> -> memref<32768xf32, #tpu.memory_space<hbm>>
    tpu.enqueue_dma source(%arg4 : memref<32768xf32, #tpu.memory_space<vmem>>) target(%dma_start3A_10 : memref<32768xf32, #tpu.memory_space<hbm>>) target_semaphore(%arg8 : memref<!tpu.dma_semaphore, #tpu.memory_space<semaphore_mem>>)
    %add3A_11 = arith.constant 32768 : i32
    %add3A_12 = arith.addi %add3A_4, %add3A_11 : i32
    %dma_start3A_13 = tpu.memref_slice %arg2[%add3A_12] : memref<16777216xf32, #tpu.memory_space<hbm>> -> memref<32768xf32, #tpu.memory_space<hbm>>
    %dma_start3A_14 = tpu.memref_slice %arg2[%add3A_12] : memref<16777216xf32, #tpu.memory_space<hbm>> -> memref<32768xf32, #tpu.memory_space<hbm>>
    tpu.enqueue_dma source(%dma_start3A_14 : memref<32768xf32, #tpu.memory_space<hbm>>) target(%arg5 : memref<32768xf32, #tpu.memory_space<vmem>>) target_semaphore(%arg7 : memref<!tpu.dma_semaphore, #tpu.memory_space<semaphore_mem>>)
    %dma_wait3A_15 = tpu.memref_slice %arg2[%add3A_12] : memref<16777216xf32, #tpu.memory_space<hbm>> -> memref<32768xf32, #tpu.memory_space<hbm>>
    %dma_wait3A_16 = tpu.memref_slice %arg2[%add3A_12] : memref<16777216xf32, #tpu.memory_space<hbm>> -> memref<32768xf32, #tpu.memory_space<hbm>>
    tpu.wait_dma2 semaphore(%arg7 : memref<!tpu.dma_semaphore, #tpu.memory_space<semaphore_mem>>) src(%dma_wait3A_16 : memref<32768xf32, #tpu.memory_space<hbm>>) dst(%arg5 : memref<32768xf32, #tpu.memory_space<vmem>>)
    %dma_start3A_17 = tpu.memref_slice %arg3[%add3A_12] : memref<16777216xf32, #tpu.memory_space<hbm>> -> memref<32768xf32, #tpu.memory_space<hbm>>
    %dma_start3A_18 = tpu.memref_slice %arg3[%add3A_12] : memref<16777216xf32, #tpu.memory_space<hbm>> -> memref<32768xf32, #tpu.memory_space<hbm>>
    tpu.enqueue_dma source(%arg5 : memref<32768xf32, #tpu.memory_space<vmem>>) target(%dma_start3A_18 : memref<32768xf32, #tpu.memory_space<hbm>>) target_semaphore(%arg9 : memref<!tpu.dma_semaphore, #tpu.memory_space<semaphore_mem>>)
    %dma_wait3A_19 = tpu.memref_slice %arg3[%add3A_6] : memref<16777216xf32, #tpu.memory_space<hbm>> -> memref<32768xf32, #tpu.memory_space<hbm>>
    %dma_wait3A_20 = tpu.memref_slice %arg3[%add3A_6] : memref<16777216xf32, #tpu.memory_space<hbm>> -> memref<32768xf32, #tpu.memory_space<hbm>>
    tpu.wait_dma2 semaphore(%arg8 : memref<!tpu.dma_semaphore, #tpu.memory_space<semaphore_mem>>) src(%arg4 : memref<32768xf32, #tpu.memory_space<vmem>>) dst(%dma_wait3A_20 : memref<32768xf32, #tpu.memory_space<hbm>>)
    %add3A_21 = arith.constant 65536 : i32
    %add3A_22 = arith.addi %add3A_4, %add3A_21 : i32
    %dma_start3A_23 = tpu.memref_slice %arg2[%add3A_22] : memref<16777216xf32, #tpu.memory_space<hbm>> -> memref<32768xf32, #tpu.memory_space<hbm>>
    %dma_start3A_24 = tpu.memref_slice %arg2[%add3A_22] : memref<16777216xf32, #tpu.memory_space<hbm>> -> memref<32768xf32, #tpu.memory_space<hbm>>
    tpu.enqueue_dma source(%dma_start3A_24 : memref<32768xf32, #tpu.memory_space<hbm>>) target(%arg4 : memref<32768xf32, #tpu.memory_space<vmem>>) target_semaphore(%arg6 : memref<!tpu.dma_semaphore, #tpu.memory_space<semaphore_mem>>)
    %dma_wait3A_25 = tpu.memref_slice %arg2[%add3A_22] : memref<16777216xf32, #tpu.memory_space<hbm>> -> memref<32768xf32, #tpu.memory_space<hbm>>
    %dma_wait3A_26 = tpu.memref_slice %arg2[%add3A_22] : memref<16777216xf32, #tpu.memory_space<hbm>> -> memref<32768xf32, #tpu.memory_space<hbm>>
    tpu.wait_dma2 semaphore(%arg6 : memref<!tpu.dma_semaphore, #tpu.memory_space<semaphore_mem>>) src(%dma_wait3A_26 : memref<32768xf32, #tpu.memory_space<hbm>>) dst(%arg4 : memref<32768xf32, #tpu.memory_space<vmem>>)
    %dma_start3A_27 = tpu.memref_slice %arg3[%add3A_22] : memref<16777216xf32, #tpu.memory_space<hbm>> -> memref<32768xf32, #tpu.memory_space<hbm>>
    %dma_start3A_28 = tpu.memref_slice %arg3[%add3A_22] : memref<16777216xf32, #tpu.memory_space<hbm>> -> memref<32768xf32, #tpu.memory_space<hbm>>
    tpu.enqueue_dma source(%arg4 : memref<32768xf32, #tpu.memory_space<vmem>>) target(%dma_start3A_28 : memref<32768xf32, #tpu.memory_space<hbm>>) target_semaphore(%arg8 : memref<!tpu.dma_semaphore, #tpu.memory_space<semaphore_mem>>)
    %dma_wait3A_29 = tpu.memref_slice %arg3[%add3A_12] : memref<16777216xf32, #tpu.memory_space<hbm>> -> memref<32768xf32, #tpu.memory_space<hbm>>
    %dma_wait3A_30 = tpu.memref_slice %arg3[%add3A_12] : memref<16777216xf32, #tpu.memory_space<hbm>> -> memref<32768xf32, #tpu.memory_space<hbm>>
    tpu.wait_dma2 semaphore(%arg9 : memref<!tpu.dma_semaphore, #tpu.memory_space<semaphore_mem>>) src(%arg5 : memref<32768xf32, #tpu.memory_space<vmem>>) dst(%dma_wait3A_30 : memref<32768xf32, #tpu.memory_space<hbm>>)
    %add3A_31 = arith.constant 98304 : i32
    %add3A_32 = arith.addi %add3A_4, %add3A_31 : i32
    %dma_start3A_33 = tpu.memref_slice %arg2[%add3A_32] : memref<16777216xf32, #tpu.memory_space<hbm>> -> memref<32768xf32, #tpu.memory_space<hbm>>
    %dma_start3A_34 = tpu.memref_slice %arg2[%add3A_32] : memref<16777216xf32, #tpu.memory_space<hbm>> -> memref<32768xf32, #tpu.memory_space<hbm>>
    tpu.enqueue_dma source(%dma_start3A_34 : memref<32768xf32, #tpu.memory_space<hbm>>) target(%arg5 : memref<32768xf32, #tpu.memory_space<vmem>>) target_semaphore(%arg7 : memref<!tpu.dma_semaphore, #tpu.memory_space<semaphore_mem>>)
    %dma_wait3A_35 = tpu.memref_slice %arg2[%add3A_32] : memref<16777216xf32, #tpu.memory_space<hbm>> -> memref<32768xf32, #tpu.memory_space<hbm>>
    %dma_wait3A_36 = tpu.memref_slice %arg2[%add3A_32] : memref<16777216xf32, #tpu.memory_space<hbm>> -> memref<32768xf32, #tpu.memory_space<hbm>>
    tpu.wait_dma2 semaphore(%arg7 : memref<!tpu.dma_semaphore, #tpu.memory_space<semaphore_mem>>) src(%dma_wait3A_36 : memref<32768xf32, #tpu.memory_space<hbm>>) dst(%arg5 : memref<32768xf32, #tpu.memory_space<vmem>>)
    %dma_start3A_37 = tpu.memref_slice %arg3[%add3A_32] : memref<16777216xf32, #tpu.memory_space<hbm>> -> memref<32768xf32, #tpu.memory_space<hbm>>
    %dma_start3A_38 = tpu.memref_slice %arg3[%add3A_32] : memref<16777216xf32, #tpu.memory_space<hbm>> -> memref<32768xf32, #tpu.memory_space<hbm>>
    tpu.enqueue_dma source(%arg5 : memref<32768xf32, #tpu.memory_space<vmem>>) target(%dma_start3A_38 : memref<32768xf32, #tpu.memory_space<hbm>>) target_semaphore(%arg9 : memref<!tpu.dma_semaphore, #tpu.memory_space<semaphore_mem>>)
    %dma_wait3A_39 = tpu.memref_slice %arg3[%add3A_22] : memref<16777216xf32, #tpu.memory_space<hbm>> -> memref<32768xf32, #tpu.memory_space<hbm>>
    %dma_wait3A_40 = tpu.memref_slice %arg3[%add3A_22] : memref<16777216xf32, #tpu.memory_space<hbm>> -> memref<32768xf32, #tpu.memory_space<hbm>>
    tpu.wait_dma2 semaphore(%arg8 : memref<!tpu.dma_semaphore, #tpu.memory_space<semaphore_mem>>) src(%arg4 : memref<32768xf32, #tpu.memory_space<vmem>>) dst(%dma_wait3A_40 : memref<32768xf32, #tpu.memory_space<hbm>>)
    %add3A_41 = arith.constant 131072 : i32
    %add3A_42 = arith.addi %add3A_4, %add3A_41 : i32
    %dma_start3A_43 = tpu.memref_slice %arg2[%add3A_42] : memref<16777216xf32, #tpu.memory_space<hbm>> -> memref<32768xf32, #tpu.memory_space<hbm>>
    %dma_start3A_44 = tpu.memref_slice %arg2[%add3A_42] : memref<16777216xf32, #tpu.memory_space<hbm>> -> memref<32768xf32, #tpu.memory_space<hbm>>
    tpu.enqueue_dma source(%dma_start3A_44 : memref<32768xf32, #tpu.memory_space<hbm>>) target(%arg4 : memref<32768xf32, #tpu.memory_space<vmem>>) target_semaphore(%arg6 : memref<!tpu.dma_semaphore, #tpu.memory_space<semaphore_mem>>)
    %dma_wait3A_45 = tpu.memref_slice %arg2[%add3A_42] : memref<16777216xf32, #tpu.memory_space<hbm>> -> memref<32768xf32, #tpu.memory_space<hbm>>
    %dma_wait3A_46 = tpu.memref_slice %arg2[%add3A_42] : memref<16777216xf32, #tpu.memory_space<hbm>> -> memref<32768xf32, #tpu.memory_space<hbm>>
    tpu.wait_dma2 semaphore(%arg6 : memref<!tpu.dma_semaphore, #tpu.memory_space<semaphore_mem>>) src(%dma_wait3A_46 : memref<32768xf32, #tpu.memory_space<hbm>>) dst(%arg4 : memref<32768xf32, #tpu.memory_space<vmem>>)
    %dma_start3A_47 = tpu.memref_slice %arg3[%add3A_42] : memref<16777216xf32, #tpu.memory_space<hbm>> -> memref<32768xf32, #tpu.memory_space<hbm>>
    %dma_start3A_48 = tpu.memref_slice %arg3[%add3A_42] : memref<16777216xf32, #tpu.memory_space<hbm>> -> memref<32768xf32, #tpu.memory_space<hbm>>
    tpu.enqueue_dma source(%arg4 : memref<32768xf32, #tpu.memory_space<vmem>>) target(%dma_start3A_48 : memref<32768xf32, #tpu.memory_space<hbm>>) target_semaphore(%arg8 : memref<!tpu.dma_semaphore, #tpu.memory_space<semaphore_mem>>)
    %dma_wait3A_49 = tpu.memref_slice %arg3[%add3A_32] : memref<16777216xf32, #tpu.memory_space<hbm>> -> memref<32768xf32, #tpu.memory_space<hbm>>
    %dma_wait3A_50 = tpu.memref_slice %arg3[%add3A_32] : memref<16777216xf32, #tpu.memory_space<hbm>> -> memref<32768xf32, #tpu.memory_space<hbm>>
    tpu.wait_dma2 semaphore(%arg9 : memref<!tpu.dma_semaphore, #tpu.memory_space<semaphore_mem>>) src(%arg5 : memref<32768xf32, #tpu.memory_space<vmem>>) dst(%dma_wait3A_50 : memref<32768xf32, #tpu.memory_space<hbm>>)
    %add3A_51 = arith.constant 163840 : i32
    %add3A_52 = arith.addi %add3A_4, %add3A_51 : i32
    %dma_start3A_53 = tpu.memref_slice %arg2[%add3A_52] : memref<16777216xf32, #tpu.memory_space<hbm>> -> memref<32768xf32, #tpu.memory_space<hbm>>
    %dma_start3A_54 = tpu.memref_slice %arg2[%add3A_52] : memref<16777216xf32, #tpu.memory_space<hbm>> -> memref<32768xf32, #tpu.memory_space<hbm>>
    tpu.enqueue_dma source(%dma_start3A_54 : memref<32768xf32, #tpu.memory_space<hbm>>) target(%arg5 : memref<32768xf32, #tpu.memory_space<vmem>>) target_semaphore(%arg7 : memref<!tpu.dma_semaphore, #tpu.memory_space<semaphore_mem>>)
    %dma_wait3A_55 = tpu.memref_slice %arg2[%add3A_52] : memref<16777216xf32, #tpu.memory_space<hbm>> -> memref<32768xf32, #tpu.memory_space<hbm>>
    %dma_wait3A_56 = tpu.memref_slice %arg2[%add3A_52] : memref<16777216xf32, #tpu.memory_space<hbm>> -> memref<32768xf32, #tpu.memory_space<hbm>>
    tpu.wait_dma2 semaphore(%arg7 : memref<!tpu.dma_semaphore, #tpu.memory_space<semaphore_mem>>) src(%dma_wait3A_56 : memref<32768xf32, #tpu.memory_space<hbm>>) dst(%arg5 : memref<32768xf32, #tpu.memory_space<vmem>>)
    %dma_start3A_57 = tpu.memref_slice %arg3[%add3A_52] : memref<16777216xf32, #tpu.memory_space<hbm>> -> memref<32768xf32, #tpu.memory_space<hbm>>
    %dma_start3A_58 = tpu.memref_slice %arg3[%add3A_52] : memref<16777216xf32, #tpu.memory_space<hbm>> -> memref<32768xf32, #tpu.memory_space<hbm>>
    tpu.enqueue_dma source(%arg5 : memref<32768xf32, #tpu.memory_space<vmem>>) target(%dma_start3A_58 : memref<32768xf32, #tpu.memory_space<hbm>>) target_semaphore(%arg9 : memref<!tpu.dma_semaphore, #tpu.memory_space<semaphore_mem>>)
    %dma_wait3A_59 = tpu.memref_slice %arg3[%add3A_42] : memref<16777216xf32, #tpu.memory_space<hbm>> -> memref<32768xf32, #tpu.memory_space<hbm>>
    %dma_wait3A_60 = tpu.memref_slice %arg3[%add3A_42] : memref<16777216xf32, #tpu.memory_space<hbm>> -> memref<32768xf32, #tpu.memory_space<hbm>>
    tpu.wait_dma2 semaphore(%arg8 : memref<!tpu.dma_semaphore, #tpu.memory_space<semaphore_mem>>) src(%arg4 : memref<32768xf32, #tpu.memory_space<vmem>>) dst(%dma_wait3A_60 : memref<32768xf32, #tpu.memory_space<hbm>>)
    %dma_wait3A_61 = tpu.memref_slice %arg3[%add3A_52] : memref<16777216xf32, #tpu.memory_space<hbm>> -> memref<32768xf32, #tpu.memory_space<hbm>>
    %dma_wait3A_62 = tpu.memref_slice %arg3[%add3A_52] : memref<16777216xf32, #tpu.memory_space<hbm>> -> memref<32768xf32, #tpu.memory_space<hbm>>
    tpu.wait_dma2 semaphore(%arg9 : memref<!tpu.dma_semaphore, #tpu.memory_space<semaphore_mem>>) src(%arg5 : memref<32768xf32, #tpu.memory_space<vmem>>) dst(%dma_wait3A_62 : memref<32768xf32, #tpu.memory_space<hbm>>)
    return
  }
}

module attributes {stable_mosaic.version = 14 : i64} {
  func.func @_tc_v_kernel(%arg0: i32, %arg1: memref<64x2048x128xf32, #tpu.memory_space<any>>, %arg2: memref<8x2048x128xf32, #tpu.memory_space<vmem>>, %arg3: memref<64x2048x128xf32, #tpu.memory_space<any>>, %arg4: memref<!tpu.dma_semaphore, #tpu.memory_space<semaphore_mem>>) attributes {dimension_semantics = [#tpu.dimension_semantics<arbitrary>], iteration_bounds = array<i64: 5>, scalar_prefetch = 0 : i64, scratch_operands = 1 : i64, tpu.core_type = #tpu.core_type<tc>, window_params = [{}, {transform_indices = @transform_1, window_bounds = array<i64: 8, 2048, 128>}, {}]} {
    %mul3A = arith.constant 8 : i32
    %mul3A_0 = arith.muli %arg0, %mul3A : i32
    %dma_start3A = arith.constant 0 : i32
    %dma_start3A_1 = arith.constant 0 : i32
    %dma_start3A_2 = tpu.memref_slice %arg3[%mul3A_0, %dma_start3A, %dma_start3A_1] : memref<64x2048x128xf32, #tpu.memory_space<any>> -> memref<8x2048x128xf32, #tpu.memory_space<any>>
    tpu.enqueue_dma source(%arg2 : memref<8x2048x128xf32, #tpu.memory_space<vmem>>) target(%dma_start3A_2 : memref<8x2048x128xf32, #tpu.memory_space<any>>) target_semaphore(%arg4 : memref<!tpu.dma_semaphore, #tpu.memory_space<semaphore_mem>>)
    %dma_wait3A = arith.constant 0 : i32
    %dma_wait3A_3 = arith.constant 0 : i32
    %dma_wait3A_4 = tpu.memref_slice %arg3[%mul3A_0, %dma_wait3A, %dma_wait3A_3] : memref<64x2048x128xf32, #tpu.memory_space<any>> -> memref<8x2048x128xf32, #tpu.memory_space<any>>
    tpu.wait_dma2 semaphore(%arg4 : memref<!tpu.dma_semaphore, #tpu.memory_space<semaphore_mem>>) src(%arg2 : memref<8x2048x128xf32, #tpu.memory_space<vmem>>) dst(%dma_wait3A_4 : memref<8x2048x128xf32, #tpu.memory_space<any>>)
    return
  }
  func.func @transform_1(%arg0: i32) -> (i32, i32, i32) {
    %c0_i32 = arith.constant 0 : i32
    %c0_i32_0 = arith.constant 0 : i32
    %c0_i32_1 = arith.constant 0 : i32
    return %arg0, %c0_i32, %c0_i32_0 : i32, i32, i32
  }
}

module attributes {stable_mosaic.version = 14 : i64} {
  func.func @_tc_k_kernel(%arg0: i32, %arg1: memref<8x2048x128xf32, #tpu.memory_space<vmem>>, %arg2: memref<64x2048x128xf32, #tpu.memory_space<any>>, %arg3: memref<8x1x2048xi32, #tpu.memory_space<vmem>>, %arg4: memref<!tpu.dma_semaphore, #tpu.memory_space<semaphore_mem>>) attributes {dimension_semantics = [#tpu.dimension_semantics<arbitrary>], iteration_bounds = array<i64: 8>, scalar_prefetch = 0 : i64, scratch_operands = 1 : i64, tpu.core_type = #tpu.core_type<tc>, window_params = [{transform_indices = @transform_0, window_bounds = array<i64: 8, 2048, 128>}, {}, {transform_indices = @transform_2, window_bounds = array<i64: 8, 1, 2048>}]} {
    %broadcast_in_dim3A = arith.constant true
    %broadcast_in_dim3A_0 = vector.broadcast %broadcast_in_dim3A : i1 to vector<8x1x2048xi1>
    %swap3A = arith.constant 0 : index
    %swap3A_1 = arith.constant 0 : index
    %swap3A_2 = arith.constant 0 : index
    %swap3A_3 = vector.load %arg3[%swap3A, %swap3A_1, %swap3A_2] : memref<8x1x2048xi32, #tpu.memory_space<vmem>>, vector<8x1x2048xi32>
    %swap3A_4 = arith.extui %broadcast_in_dim3A_0 : vector<8x1x2048xi1> to vector<8x1x2048xi32>
    %swap3A_5 = arith.constant dense<0> : vector<8x1x2048xi32>
    %swap3A_6 = arith.cmpi ne, %swap3A_3, %swap3A_5 : vector<8x1x2048xi32>
    tpu.vector_store %arg3[%swap3A, %swap3A_1, %swap3A_2], %swap3A_4 {strides = array<i32>} : memref<8x1x2048xi32, #tpu.memory_space<vmem>>, vector<8x1x2048xi32>,
    %mul3A = arith.constant 8 : i32
    %mul3A_7 = arith.muli %arg0, %mul3A : i32
    %dma_start3A = arith.constant 0 : i32
    %dma_start3A_8 = arith.constant 0 : i32
    %dma_start3A_9 = tpu.memref_slice %arg2[%mul3A_7, %dma_start3A, %dma_start3A_8] : memref<64x2048x128xf32, #tpu.memory_space<any>> -> memref<8x2048x128xf32, #tpu.memory_space<any>>
    tpu.enqueue_dma source(%arg1 : memref<8x2048x128xf32, #tpu.memory_space<vmem>>) target(%dma_start3A_9 : memref<8x2048x128xf32, #tpu.memory_space<any>>) target_semaphore(%arg4 : memref<!tpu.dma_semaphore, #tpu.memory_space<semaphore_mem>>)
    %dma_wait3A = arith.constant 0 : i32
    %dma_wait3A_10 = arith.constant 0 : i32
    %dma_wait3A_11 = tpu.memref_slice %arg2[%mul3A_7, %dma_wait3A, %dma_wait3A_10] : memref<64x2048x128xf32, #tpu.memory_space<any>> -> memref<8x2048x128xf32, #tpu.memory_space<any>>
    tpu.wait_dma2 semaphore(%arg4 : memref<!tpu.dma_semaphore, #tpu.memory_space<semaphore_mem>>) src(%arg1 : memref<8x2048x128xf32, #tpu.memory_space<vmem>>) dst(%dma_wait3A_11 : memref<8x2048x128xf32, #tpu.memory_space<any>>)
    return
  }
  func.func @transform_0(%arg0: i32) -> (i32, i32, i32) {
    %c0_i32 = arith.constant 0 : i32
    %c0_i32_0 = arith.constant 0 : i32
    %c0_i32_1 = arith.constant 0 : i32
    return %arg0, %c0_i32, %c0_i32_0 : i32, i32, i32
  }
  func.func @transform_2(%arg0: i32) -> (i32, i32, i32) {
    %c0_i32 = arith.constant 0 : i32
    %c0_i32_0 = arith.constant 0 : i32
    %c0_i32_1 = arith.constant 0 : i32
    return %arg0, %c0_i32, %c0_i32_0 : i32, i32, i32
  }
}

</mosaic_0001>

<sc_bundles>
// kernel: kernel.5.cloned.1.call-start
scs
__scs_entry_jumppad:
0x0: {  	(pc) =	sbr.rel $0x88, $3  }
0x1: {  	(tag) =	ssettag $0x0;
	lr =	simm.s32 $0x1  }
0x2: {  	[smem:$0x3F9F] =	sst lr;
	_ =	strace $0xD0000000  }
0x3: {  	_ = 	snop  }
0x4: {  	_ = 	snop  }
0x5: {  	_ = 	snop  }
0x6: {  	_ = 	snop  }
0x7: {  	_ = 	snop  }
__scs_overlays_trampoline_lowered:
0x8: {  	[smem:$0x3FAE] =	sst s0  }
0x9: {  	[smem:$0x3FAF] =	sst s1  }
0xa: {  	[smem:$0x3FB0] =	sst s2  }
0xb: {  	[smem:$0x3FB1] =	sst s3  }
0xc: {  	[smem:$0x3FB2] =	sst s4  }
0xd: {  	[smem:$0x3FB3] =	sst s5  }
0xe: {  	[smem:$0x3FB4] =	sst s6  }
0xf: {  	[smem:$0x3FB5] =	sst s7  }
0x10: {  	[smem:$0x3FB6] =	sst s8  }
0x11: {  	[smem:$0x3FB7] =	sst s9;
	s0 =	simm.s32 @!p0 $0x0  }
0x12: {  	s1 =	sld [smem:$0x3F9D];
	s0 =	simm.s32 @p0 $0x1  }
0x13: {  	[smem:$0x3FB8] =	sst s0;
	s0 =	simm.s32 @!p1 $0x0  }
0x14: {  	s2 =	sld [smem:$0x3F9C];
	s0 =	simm.s32 @p1 $0x1  }
0x15: {  	[smem:$0x3FB9] =	sst s0;
	s0 =	simm.s32 @!p2 $0x0  }
0x16: {  	s3 =	sld [smem:$0x3FDB];
	s0 =	simm.s32 @p2 $0x1  }
0x17: {  	s4 =	simm.s32 $0x1BF5;
	[smem:$0x3FBB] =	sst s0  }
0x18: {  	s0 =	sld [smem:$0x3F9E];
	_ =	swait.ge [sflag:s4], $0x0  }
0x19: {  	s7 =	sld [smem:$0x3F9F]  }
0x1a: {  	s8 =	sadd.s32 $0xFFFFE003, lr  }
0x1b: {  	s9 =	sadd.s32 $0xFFFFFEF7, lr;
	s5 =	simm.s32 $0xFFFFFFFF;
	p2 =	slt.u32 s8, $0xFFFFF086  }
0x1c: {  	p1 =	slt.u32 s9, $0xF7A;
	s5 =	simm.s32 @!p2 $0x0  }
0x1d: {  	s5 =	simm.s32 @p1 $0x1;
	p0 =	seq.s32 s7, s2  }
0x1e: {  	s7 =	smul.u32 @!p0 $0xF7A, s2;
	p2 =	seq.s32 @!p0 s5, $0x0  }
0x1f: {  	s9 =	smul.u32 $0xF7A, s1;
	s8 =	simm.s32 @!p0 $0x1BF5;
	p2 =	por !p2, p0  }
0x20: {  	[sflag:s8] =	ssyncset.s32 @!p0 $0xFFFFF086;
	s6 =	sadd.s32 @!p0 s3, s7;
	s7 =	simm.s32 @!p0 $0x108  }
0x21: {  	s3 =	sadd.s32 s3, s9;
	s6 =	sadd.s32 @!p0 $0x88, s6;
	s7 =	simm.s32 @p2 $0x1082  }
0x22: {  	[simem:s7], [sflag:s8] =	dma.local @!p0 [hbm:s6], $0xF7A  }
0x23: {  	s9 =	sor.u32 $0xD0000000, s2;
	s6 =	simm.s32 $0x108;
	_ =	swait.ge @!p0 [sflag:s8], $0x0  }
0x24: {  	s3 =	sadd.s32 $0x88, s3;
	s6 =	simm.s32 @!p1 $0x1082;
	[sflag:s4] =	ssyncset.s32 $0xFFFFF086  }
0x25: {  	[simem:s6], [sflag:s4] =	dma.local [hbm:s3], $0xF7A  }
0x26: {  	[smem:$0x3F9F] =	sst s1;
	(tag) =	ssettag s2;
	_ =	strace s9  }
0x27: {  	s1 =	sld [smem:$0x3FAF]  }
0x28: {  	s2 =	sld [smem:$0x3FB0]  }
0x29: {  	s4 =	sld [smem:$0x3FB2]  }
0x2a: {  	p0 =	seq.s32 s5, $0x0;
	s5 =	sld [smem:$0x3FB3]  }
0x2b: {  	s6 =	sld [smem:$0x3FB4]  }
0x2c: {  	s7 =	sld [smem:$0x3FB5]  }
0x2d: {  	s3 =	simm.s32 $0x108;
	s8 =	sld [smem:$0x3FB6]  }
0x2e: {  	s3 =	simm.s32 @!p0 $0x1082;
	s9 =	sld [smem:$0x3FB7]  }
0x2f: {  	lr =	sadd.s32 s0, s3;
	s0 =	sld [smem:$0x3FAE]  }
0x30: {  	s3 =	sld [smem:$0x3FB1]  }
0x31: {  	[smem:$0x3FBA] =	sst s10  }
0x32: {  	s10 =	sld [smem:$0x3FB8];
	_ =	sdelay $0x3  }
0x33: {  	p0 =	seq.s32 s10, $0x1;
	s10 =	sld [smem:$0x3FBA];
	_ =	sdelay $0x3  }
0x34: {  	[smem:$0x3FBA] =	sst s10  }
0x35: {  	s10 =	sld [smem:$0x3FB9];
	_ =	sdelay $0x3  }
0x36: {  	p1 =	seq.s32 s10, $0x1;
	s10 =	sld [smem:$0x3FBA];
	_ =	sdelay $0x3  }
0x37: {  	[smem:$0x3FBA] =	sst s10  }
0x38: {  	s10 =	sld [smem:$0x3FBB]  }
0x39: {  	_ = 	snop;
	(pc) =	sbr.ind lr, $3  }
0x3a: {  	_ = 	snop  }
0x3b: {  	_ = 	snop  }
0x3c: {  	p2 =	seq.s32 s10, $0x1;
	s10 =	sld [smem:$0x3FBA]  }
0x3d: {  	_ =	shalt  }
0x3e: {  	_ =	shalt  }
0x3f: {  	_ =	shalt  }
0x40: {  	_ =	shalt  }
0x41: {  	_ =	shalt  }
0x42: {  	_ =	shalt  }
0x43: {  	_ =	shalt  }
0x44: {  	_ =	shalt  }
0x45: {  	_ =	shalt  }
0x46: {  	_ =	shalt  }
0x47: {  	_ =	shalt  }
0x48: {  	_ =	shalt  }
0x49: {  	_ =	shalt  }
0x4a: {  	_ =	shalt  }
0x4b: {  	_ =	shalt  }
0x4c: {  	_ =	shalt  }
0x4d: {  	_ =	shalt  }
0x4e: {  	_ =	shalt  }
0x4f: {  	_ =	shalt  }
0x50: {  	_ =	shalt  }
0x51: {  	_ =	shalt  }
0x52: {  	_ =	shalt  }
0x53: {  	_ =	shalt  }
0x54: {  	_ =	shalt  }
0x55: {  	_ =	shalt  }
0x56: {  	_ =	shalt  }
0x57: {  	_ =	shalt  }
0x58: {  	_ =	shalt  }
0x59: {  	_ =	shalt  }
0x5a: {  	_ =	shalt  }
0x5b: {  	_ =	shalt  }
0x5c: {  	_ =	shalt  }
0x5d: {  	_ =	shalt  }
0x5e: {  	_ =	shalt  }
0x5f: {  	_ =	shalt  }
0x60: {  	_ =	shalt  }
0x61: {  	_ =	shalt  }
0x62: {  	_ =	shalt  }
0x63: {  	_ =	shalt  }
0x64: {  	_ =	shalt  }
0x65: {  	_ =	shalt  }
0x66: {  	_ =	shalt  }
0x67: {  	_ =	shalt  }
0x68: {  	_ =	shalt  }
0x69: {  	_ =	shalt  }
0x6a: {  	_ =	shalt  }
0x6b: {  	_ =	shalt  }
0x6c: {  	_ =	shalt  }
0x6d: {  	_ =	shalt  }
0x6e: {  	_ =	shalt  }
0x6f: {  	_ =	shalt  }
0x70: {  	_ =	shalt  }
0x71: {  	_ =	shalt  }
0x72: {  	_ =	shalt  }
0x73: {  	_ =	shalt  }
0x74: {  	_ =	shalt  }
0x75: {  	_ =	shalt  }
0x76: {  	_ =	shalt  }
0x77: {  	_ =	shalt  }
0x78: {  	_ =	shalt  }
0x79: {  	_ =	shalt  }
0x7a: {  	_ =	shalt  }
0x7b: {  	_ =	shalt  }
0x7c: {  	_ =	shalt  }
0x7d: {  	_ =	shalt  }
0x7e: {  	_ =	shalt  }
0x7f: {  	_ =	shalt  }
0x80: {  	_ =	shalt  }
0x81: {  	_ =	shalt  }
0x82: {  	_ =	shalt  }
0x83: {  	_ =	shalt  }
0x84: {  	_ =	shalt  }
0x85: {  	_ =	shalt  }
0x86: {  	_ =	shalt  }
0x87: {  	_ =	shalt  }
.Lfunc_end0:
.L_simem_size_0:
called_computation_lowered:
.L_overlay_start_0:
0x88: {  	s2 =	sld [smem:$0x3FD9]  }
0x89: {  	s3 =	sld [smem:$0x3FFE];
	_ =	sdelay $0x1  }
0x8a: {  	s1 =	srdreg.scid  }
0x8b: {  	s0 =	sand.u32 $0x1, s1  }
0x8c: {  	s15 =	sshll.u32 s0, $0xA;
	s2 =	sadd.s32 s3, s2  }
0x8d: {  	s2 =	sadd.s32 s2, s15  }
0x8e: {  	[smem:$0x3FC6] =	sst s2  }
0x8f: {  	_ = 	snop  }
0x90: {  	s2 =	sld [smem:$0x3FD0];
	_ =	sdelay $0x2  }
0x91: {  	s4 =	simm.s32 $0xA;
	s5 =	simm.s32 $0x10;
	s16 =	sld [smem:$0x3FC8]  }
0x92: {  	[smem:s5], [sflag:s4] =	dma.local [hbm:s2], $0x1  }
0x93: {  	_ =	swait.eq [sflag:s4], $0x1  }
0x94: {  	[sflag:s4] =	ssyncset.done $0x0  }
0x95: {  	[sflag:s4] =	ssyncadd.s32 $0xFFFFFFFF  }
0x96: {  	s17 =	sld [smem:$0x11];
	(tm) =	ssettm $0x1  }
0x97: {  	s18 =	sld [smem:$0x3FFB];
	_ =	sdelay $0x3  }
0x98: {  	_ =	strace s18  }
0x99: {  	s4 =	sld [smem:$0x3FFC];
	_ =	sdelay $0x3  }
0x9a: {  	_ =	strace s4  }
0x9b: {  	s4 =	sld [smem:$0x3FFD];
	_ =	sdelay $0x3  }
0x9c: {  	_ =	strace s4  }
0x9d: {  	_ =	strace $0x8FFFFFFF  }
0x9e: {  	s19 =	sld [smem:$0x3FDB];
	_ =	sdelay $0x1  }
0x9f: {  	s20 =	simm.s32 $_scs_section_size  }
0xa0: {  	s6 =	simm.s32 $_size__tile_overlayer_lowered;
	s7 =	simm.s32 $_tile_overlayer_lowered  }
0xa1: {  	s23 =	simm.s32 $0x1BFF;
	s22 =	sshll.u32 s7, $0x1;
	s4 =	sadd.s32 s20, s19  }
0xa2: {  	s8 =	simm.s32 $0x0;
	s21 =	sshll.u32 s6, $0x1;
	s6 =	sadd.s32 s22, s4  }
0xa3: {  	[timem:s8], [sflag:s23] =	dma.local [hbm:s6], s21  }
0xa4: {  	_ =	swait.ge [sflag:s23], s21  }
0xa5: {  	s5 =	ssub.s32 $0x0, s21;
	[sflag:s23] =	ssyncset.done $0x0  }
0xa6: {  	[sflag:s23] =	ssyncadd.s32 s5;
	_ =	sdelay $0x1  }
0xa7: {  	s24 =	simm.s32 $0x1B8B  }
0xa8: {  	_ =	swait.ge [sflag:s24], $0x1  }
0xa9: {  	[sflag:s24] =	ssyncset.done $0x0  }
0xaa: {  	s25 =	simm.s32 $0x1B8E;
	[sflag:s24] =	ssyncadd.s32 $0xFFFFFFFF  }
0xab: {  	s26 =	simm.s32 $execute0_lowered;
	[smem:$0x3FD2] =	sst s25  }
0xac: {  	s5 =	sshll.u32 s26, $0x1;
	_ =	strace $0x80000046;
	[dreg:$0x1] =	wrdreg $0xFFFFFFFF  }
0xad: {  	s28 =	simm.s32 $_size_execute0_lowered;
	s4 =	sadd.s32 s4, s5;
	[dreg:$0x0] =	wrdreg $0x0  }
0xae: {  	s5 =	sshll.u32 s28, $0x1;
	[dreg:$0x2] =	wrdreg s4  }
0xaf: {  	[dreg:$0x3] =	wrdreg s5  }
0xb0: {  	[dreg:$0x4] =	wrdreg $0xC0  }
0xb1: {  	_ =	task [dreg:s8], $0x5FFFF  }
0xb2: {  	[dreg:$0x1] =	wrdreg $0xFFFFFFFF  }
0xb3: {  	[dreg:$0x0] =	wrdreg $0x60  }
0xb4: {  	[dreg:$0x2] =	wrdreg s16  }
0xb5: {  	[dreg:$0x3] =	wrdreg s17  }
0xb6: {  	[dreg:$0x4] =	wrdreg $0x9  }
0xb7: {  	_ =	task.clear_ibuf [dreg:s8], $0x5FFFF;
	_ =	strace $0x90000046  }
0xb8: {  	s29 =	simm.s32 $0x9;
	_ =	strace $0x80000048  }
0xb9: {  	_ =	swait.ge [sflag:s29], $0x1  }
0xba: {  	[sflag:s29] =	ssyncadd.s32 $0xFFFFFFFF  }
0xbb: {  	_ =	strace $0x90000048  }
0xbc: {  	_ =	sfence  }
0xbd: {  	s30 =	sld [smem:$0x0];
	_ =	sdelay $0x2  }
0xbe: {  	s31 =	sshll.u32 s1, $0xD;
	s1 =	sshrl.u32 s1, $0x2  }
0xbf: {  	s3 =	sand.u32 $0x4000, s31;
	s1 =	sadd.s32 s1, s30  }
0xc0: {  	s0 =	sor.u32 s3, s0;
	s1 =	sshll.u32 s1, $0x11  }
0xc1: {  	s0 =	sor.u32 s1, s0  }
0xc2: {  	s0 =	sadd.s32 $0x8F2B, s0  }
0xc3: {  	[sflag:s0] =	ssyncadd.remote.s32 $0x1  }
0xc4: {  	_ =	sfence.sel $0xFFFF  }
0xc5: {  	[dreg:$0x0] =	wrdreg $0xFFFFFFFF;
	(pc) =	sbr.abs _section_cstart, $3  }
0xc6: {  	[dreg:$0x1] =	wrdreg $0xFFFFFFFF  }
0xc7: {  	_ =	task.clear_ibuf [dreg:s8], $0x2FFFF;
	_ =	strace $0x9FFFFFFF  }
0xc8: {  	(tm) =	ssettm $0x7FFFFFFF  }
0xc9: {  	_ =	shalt  }
tec
execute0_lowered:
.L_overlay_start_1:
0x0: {  	(tag) =	ssettag $0x1  }
0x1: {  	s1 =	srdreg.scid;
	s0 =	stileid.u32  }
0x2: {  	s19 =	sand.u32 $0x1, s1;
	s30 =	sshll.u32 s0, $0x1  }
0x3: {  	s1 =	sor.u32 s19, s30  }
0x4: {  	s3 =	smul.u32 $0x30000, s1  }
0x5: {  	s18 =	rddreg [dreg:$0x0]  }
0x6: {  	s20 =	rddreg [dreg:$0x1];
	s2 =	simm.s32 $0x0;
	s21 =	sshrl.u32 s3, $0x3  }
0x7: {  	s4 =	simm.s32 $0x1;
	[smem:$0x7FF] =	sst s2;
	s5 =	sadd.s32 $0x140000, s21  }
0x8: {  	s1 =	rddreg [dreg:$0x2];
	_ =	strace $0x80000047;
	s3 =	sadd.s32 s18, s5  }
0x9: {  	[tilespmem:s2], [sflag:$0x1] =	stream.linear.gather [hbm4b:s3+s2], $0x8000, $0x38;
	[tilespmem:$0x10000] =	vst v63  }
0xa: {  	_ =	swait.ge [sflag:s4], $0x8000  }
0xb: {  	[sflag:s4] =	ssyncset.done $0x0  }
0xc: {  	s9 =	sadd.s32 $0x141000, s21;
	s5 =	sadd.s32 s20, s5;
	[sflag:s4] =	ssyncadd.s32 $0xFFFF8000  }
0xd: {  	[hbm4b:s5+s2] =	stream.linear.scatter [tilespmem:s2], [sflag:$0x3], $0x8000, $0x38;
	[tilespmem:$0x10000] =	vst v63  }
0xe: {  	s7 =	simm.s32 $0x8000;
	s8 =	simm.s32 $0x2;
	s6 =	sadd.s32 s18, s9  }
0xf: {  	[tilespmem:s7], [sflag:$0x2] =	stream.linear.gather [hbm4b:s6+s2], $0x8000, $0x38;
	[tilespmem:$0x10000] =	vst v63  }
0x10: {  	_ =	swait.ge [sflag:s8], $0x8000  }
0x11: {  	[sflag:s8] =	ssyncset.done $0x0  }
0x12: {  	s10 =	simm.s32 $0x3;
	s9 =	sadd.s32 s20, s9;
	[sflag:s8] =	ssyncadd.s32 $0xFFFF8000  }
0x13: {  	[hbm4b:s9+s2] =	stream.linear.scatter [tilespmem:s7], [sflag:$0x4], $0x8000, $0x38;
	[tilespmem:$0x10000] =	vst v63  }
0x14: {  	_ =	swait.ge [sflag:s10], $0x8000  }
0x15: {  	s12 =	sadd.s32 $0x142000, s21;
	[sflag:s10] =	ssyncset.done $0x0  }
0x16: {  	s11 =	sadd.s32 s18, s12;
	[sflag:s10] =	ssyncadd.s32 $0xFFFF8000  }
0x17: {  	[tilespmem:s2], [sflag:$0x1] =	stream.linear.gather [hbm4b:s11+s2], $0x8000, $0x38;
	[tilespmem:$0x10000] =	vst v63  }
0x18: {  	_ =	swait.ge [sflag:s4], $0x8000  }
0x19: {  	[sflag:s4] =	ssyncset.done $0x0  }
0x1a: {  	s13 =	sadd.s32 s20, s12;
	s12 =	simm.s32 $0x4;
	[sflag:s4] =	ssyncadd.s32 $0xFFFF8000  }
0x1b: {  	[hbm4b:s13+s2] =	stream.linear.scatter [tilespmem:s2], [sflag:$0x3], $0x8000, $0x38;
	[tilespmem:$0x10000] =	vst v63  }
0x1c: {  	_ =	swait.ge [sflag:s12], $0x8000  }
0x1d: {  	s15 =	sadd.s32 $0x143000, s21;
	[sflag:s12] =	ssyncset.done $0x0  }
0x1e: {  	s14 =	sadd.s32 s18, s15;
	[sflag:s12] =	ssyncadd.s32 $0xFFFF8000  }
0x1f: {  	[tilespmem:s7], [sflag:$0x2] =	stream.linear.gather [hbm4b:s14+s2], $0x8000, $0x38;
	[tilespmem:$0x10000] =	vst v63  }
0x20: {  	_ =	swait.ge [sflag:s8], $0x8000  }
0x21: {  	[sflag:s8] =	ssyncset.done $0x0  }
0x22: {  	s15 =	sadd.s32 s20, s15;
	[sflag:s8] =	ssyncadd.s32 $0xFFFF8000  }
0x23: {  	[hbm4b:s15+s2] =	stream.linear.scatter [tilespmem:s7], [sflag:$0x4], $0x8000, $0x38;
	[tilespmem:$0x10000] =	vst v63  }
0x24: {  	_ =	swait.ge [sflag:s10], $0x8000  }
0x25: {  	s17 =	sadd.s32 $0x144000, s21;
	[sflag:s10] =	ssyncset.done $0x0  }
0x26: {  	s16 =	sadd.s32 s18, s17;
	[sflag:s10] =	ssyncadd.s32 $0xFFFF8000  }
0x27: {  	[tilespmem:s2], [sflag:$0x1] =	stream.linear.gather [hbm4b:s16+s2], $0x8000, $0x38;
	[tilespmem:$0x10000] =	vst v63  }
0x28: {  	_ =	swait.ge [sflag:s4], $0x8000  }
0x29: {  	[sflag:s4] =	ssyncset.done $0x0  }
0x2a: {  	s17 =	sadd.s32 s20, s17;
	[sflag:s4] =	ssyncadd.s32 $0xFFFF8000  }
0x2b: {  	[hbm4b:s17+s2] =	stream.linear.scatter [tilespmem:s2], [sflag:$0x3], $0x8000, $0x38;
	[tilespmem:$0x10000] =	vst v63  }
0x2c: {  	_ =	swait.ge [sflag:s12], $0x8000  }
0x2d: {  	s22 =	ssub.s32 $0x2, s19;
	s21 =	sadd.s32 $0x145000, s21;
	[sflag:s12] =	ssyncset.done $0x0  }
0x2e: {  	s31 =	sshrl.u32 s22, $0x1;
	s18 =	sadd.s32 s18, s21;
	[sflag:s12] =	ssyncadd.s32 $0xFFFF8000  }
0x2f: {  	[tilespmem:s7], [sflag:$0x2] =	stream.linear.gather [hbm4b:s18+s2], $0x8000, $0x38;
	[tilespmem:$0x10000] =	vst v63  }
0x30: {  	s19 =	sadd.s32 s20, s21;
	s20 =	ssub.s32 s22, s31;
	_ =	swait.ge [sflag:s8], $0x8000  }
0x31: {  	s20 =	smax.u32 s20, $0x1;
	[sflag:s8] =	ssyncset.done $0x0  }
0x32: {  	p0 =	sne.s32 s20, $0x1;
	[sflag:s8] =	ssyncadd.s32 $0xFFFF8000  }
0x33: {  	[hbm4b:s19+s2] =	stream.linear.scatter [tilespmem:s7], [sflag:$0x4], $0x8000, $0x38;
	[tilespmem:$0x10000] =	vst v63  }
.Ltmp0:
0x34: {  	_ =	swait.ge [sflag:s10], $0x8000;
	(pc) =	sbr.rel @!p0 .LBB2_2-.Ltmp0, $4  }
0x35: {  	[sflag:s10] =	ssyncset.done $0x0  }
0x36: {  	[sflag:s10] =	ssyncadd.s32 $0xFFFF8000  }
0x37: {  	_ =	swait.ge [sflag:s12], $0x8000  }
0x38: {  	s20 =	sadd.s32 $0xFFFFFFFF, s20;
	[sflag:s12] =	ssyncset.done $0x0  }
.LBB2_1:
0x39: {  	p0 =	sne.s32 s20, $0x1;
	s20 =	sadd.s32 $0xFFFFFFFF, s20;
	[sflag:s12] =	ssyncadd.s32 $0xFFFF8000  }
0x3a: {  	[tilespmem:s2], [sflag:$0x1] =	stream.linear.gather [hbm4b:s3+s2], $0x8000, $0x38;
	[tilespmem:$0x10000] =	vst v63  }
0x3b: {  	_ =	swait.ge [sflag:s4], $0x8000  }
0x3c: {  	[sflag:s4] =	ssyncset.done $0x0  }
0x3d: {  	[sflag:s4] =	ssyncadd.s32 $0xFFFF8000  }
0x3e: {  	[hbm4b:s5+s2] =	stream.linear.scatter [tilespmem:s2], [sflag:$0x3], $0x8000, $0x38;
	[tilespmem:$0x10000] =	vst v63  }
0x3f: {  	_ = 	snop  }
0x40: {  	[tilespmem:s7], [sflag:$0x2] =	stream.linear.gather [hbm4b:s6+s2], $0x8000, $0x38;
	[tilespmem:$0x10000] =	vst v63  }
0x41: {  	_ =	swait.ge [sflag:s8], $0x8000  }
0x42: {  	[sflag:s8] =	ssyncset.done $0x0  }
0x43: {  	[sflag:s8] =	ssyncadd.s32 $0xFFFF8000  }
0x44: {  	[hbm4b:s9+s2] =	stream.linear.scatter [tilespmem:s7], [sflag:$0x4], $0x8000, $0x38;
	[tilespmem:$0x10000] =	vst v63  }
0x45: {  	_ =	swait.ge [sflag:s10], $0x8000  }
0x46: {  	[sflag:s10] =	ssyncset.done $0x0  }
0x47: {  	[sflag:s10] =	ssyncadd.s32 $0xFFFF8000  }
0x48: {  	[tilespmem:s2], [sflag:$0x1] =	stream.linear.gather [hbm4b:s11+s2], $0x8000, $0x38;
	[tilespmem:$0x10000] =	vst v63  }
0x49: {  	_ =	swait.ge [sflag:s4], $0x8000  }
0x4a: {  	[sflag:s4] =	ssyncset.done $0x0  }
0x4b: {  	[sflag:s4] =	ssyncadd.s32 $0xFFFF8000  }
0x4c: {  	[hbm4b:s13+s2] =	stream.linear.scatter [tilespmem:s2], [sflag:$0x3], $0x8000, $0x38;
	[tilespmem:$0x10000] =	vst v63  }
0x4d: {  	_ =	swait.ge [sflag:s12], $0x8000  }
0x4e: {  	[sflag:s12] =	ssyncset.done $0x0  }
0x4f: {  	[sflag:s12] =	ssyncadd.s32 $0xFFFF8000  }
0x50: {  	[tilespmem:s7], [sflag:$0x2] =	stream.linear.gather [hbm4b:s14+s2], $0x8000, $0x38;
	[tilespmem:$0x10000] =	vst v63  }
0x51: {  	_ =	swait.ge [sflag:s8], $0x8000  }
0x52: {  	[sflag:s8] =	ssyncset.done $0x0  }
0x53: {  	[sflag:s8] =	ssyncadd.s32 $0xFFFF8000  }
0x54: {  	[hbm4b:s15+s2] =	stream.linear.scatter [tilespmem:s7], [sflag:$0x4], $0x8000, $0x38;
	[tilespmem:$0x10000] =	vst v63  }
0x55: {  	_ =	swait.ge [sflag:s10], $0x8000  }
0x56: {  	[sflag:s10] =	ssyncset.done $0x0  }
0x57: {  	[sflag:s10] =	ssyncadd.s32 $0xFFFF8000  }
0x58: {  	[tilespmem:s2], [sflag:$0x1] =	stream.linear.gather [hbm4b:s16+s2], $0x8000, $0x38;
	[tilespmem:$0x10000] =	vst v63  }
0x59: {  	_ =	swait.ge [sflag:s4], $0x8000  }
0x5a: {  	[sflag:s4] =	ssyncset.done $0x0  }
0x5b: {  	[sflag:s4] =	ssyncadd.s32 $0xFFFF8000  }
0x5c: {  	[hbm4b:s17+s2] =	stream.linear.scatter [tilespmem:s2], [sflag:$0x3], $0x8000, $0x38;
	[tilespmem:$0x10000] =	vst v63  }
0x5d: {  	_ =	swait.ge [sflag:s12], $0x8000  }
0x5e: {  	[sflag:s12] =	ssyncset.done $0x0  }
0x5f: {  	[sflag:s12] =	ssyncadd.s32 $0xFFFF8000  }
0x60: {  	[tilespmem:s7], [sflag:$0x2] =	stream.linear.gather [hbm4b:s18+s2], $0x8000, $0x38;
	[tilespmem:$0x10000] =	vst v63  }
0x61: {  	_ =	swait.ge [sflag:s8], $0x8000  }
0x62: {  	[sflag:s8] =	ssyncset.done $0x0  }
0x63: {  	[sflag:s8] =	ssyncadd.s32 $0xFFFF8000  }
0x64: {  	[hbm4b:s19+s2] =	stream.linear.scatter [tilespmem:s7], [sflag:$0x4], $0x8000, $0x38;
	[tilespmem:$0x10000] =	vst v63  }
.Ltmp1:
0x65: {  	_ =	swait.ge [sflag:s10], $0x8000;
	(pc) =	sbr.rel @p0 .LBB2_1-.Ltmp1, $4  }
0x66: {  	[sflag:s10] =	ssyncset.done $0x0  }
0x67: {  	[sflag:s10] =	ssyncadd.s32 $0xFFFF8000  }
0x68: {  	_ =	swait.ge [sflag:s12], $0x8000  }
0x69: {  	[sflag:s12] =	ssyncset.done $0x0  }
.LBB2_2:
0x6a: {  	[sflag:s12] =	ssyncadd.s32 $0xFFFF8000  }
0x6b: {  	_ =	sfence.sel $0x180000  }
0x6c: {  	[bflag:$0x0] =	sbarrier.arrive $0xFFFF  }
0x6d: {  	p0 =	sne.s32 s0, $0x0;
	_ =	strace $0x90000047  }
0x6e: {  	s0 =	sadd.s32 @!p0 $0x100000, s1;
	[bflag:$0x2] =	sbarrier.arrive $0xFFFF  }
0x6f: {  	[sflag:s0] =	ssyncadd.tile.s32 @!p0 $0x1;
	_ =	shalt  }
.Lfunc_end2:
_tile_overlayer_lowered:
.L_overlay_start_2:
0x70: {  	(tag) =	ssettag $0x2  }
0x71: {  	s0 =	rddreg [dreg:$0x0];
	s2 =	stileid.u32  }
0x72: {  	s1 =	rddreg [dreg:$0x1];
	p0 =	sne.s32 s2, $0x0  }
0x73: {  	s3 =	rddreg [dreg:$0x2];
	[bflag:$0x3] =	sbarrier.arrive $0xFFFF;
	s2 =	simm.s32 @!p0 $0x1C05  }
0x74: {  	[timem:s3], [sflag:s2] =	dma.local @!p0 [hbm:s0], s1  }
0x75: {  	s0 =	simm.s32 @!p0 $0x5  }
0x76: {  	_ =	swait.ge @!p0 [sflag:s0], s1  }
0x77: {  	s1 =	ssub.s32 @!p0 $0x0, s1;
	[sflag:s0] =	ssyncset.done @!p0 $0x0  }
0x78: {  	[sflag:s0] =	ssyncadd.s32 @!p0 s1  }
0x79: {  	[bflag:$0x3] =	sbarrier.arrive $0xFFFF  }
0x7a: {  	_ =	shalt  }

</sc_bundles>
